<compile_context>
chip_gen: v7x
topology: tpu7x:2x2x1
jax: 0.10.2.dev20260603
libtpu: 0.0.44.dev20260713+nightly
codegen_flags: <defaults>
</compile_context>

<pallas_src>
import functools

import jax
import jax.numpy as jnp
from jax import lax
from jax.experimental import pallas as pl
from jax.experimental.pallas import tpu as pltpu
from jax.experimental.pallas import tpu_sc as plsc

CHUNK = 128
NBUF = 5
LOOKAHEAD = 3


def _sc_geometry():
    try:
        info = plsc.get_sparse_core_info()
        return info.num_cores, info.num_subcores
    except Exception:
        return 2, 16


@functools.cache
def _build(L, B, D):
    NC, NS = _sc_geometry()
    NW = NC * NS
    assert B % (NW * CHUNK) == 0
    n_chunks = L
    assert n_chunks % NBUF == 0
    mesh = plsc.VectorSubcoreMesh(core_axis_name="c", subcore_axis_name="s")

    @functools.partial(
        pl.kernel,
        out_type=jax.ShapeDtypeStruct((L * B, D), jnp.float32),
        mesh=mesh,
        scratch_types=[
            pltpu.VMEM((n_chunks, CHUNK), jnp.int32),
            [pltpu.VMEM((CHUNK, D), jnp.float32) for _ in range(NBUF)],
            [pltpu.SemaphoreType.DMA for _ in range(NBUF)],
            [pltpu.SemaphoreType.DMA for _ in range(NBUF)],
        ],
    )
    def emb(idx_hbm, table_hbm, out_hbm, idx_v, rows, gsem, wsem):
        wid = lax.axis_index("s") * NC + lax.axis_index("c")
        col0 = wid * CHUNK
        HEAD = 8

        def start_gather(chunk, b):
            pltpu.async_copy(table_hbm.at[idx_v.at[chunk]], rows[b], gsem[b])

        def start_write(chunk, b):
            pltpu.async_copy(
                rows[b],
                out_hbm.at[pl.ds(chunk * B + col0, CHUNK)],
                wsem[b],
            )

        def wait_write(b):
            pltpu.make_async_copy(
                rows[b], out_hbm.at[pl.ds(0, CHUNK)], wsem[b]
            ).wait()

        def wait_gather(chunk, b):
            pltpu.make_async_copy(
                table_hbm.at[idx_v.at[chunk]], rows[b], gsem[b]
            ).wait()

        pltpu.sync_copy(
            idx_hbm.at[pl.ds(0, HEAD), pl.ds(col0, CHUNK)],
            idx_v.at[pl.ds(0, HEAD)],
        )
        for p in range(LOOKAHEAD):
            start_gather(p, p)
        pltpu.sync_copy(
            idx_hbm.at[pl.ds(HEAD, n_chunks - HEAD), pl.ds(col0, CHUNK)],
            idx_v.at[pl.ds(HEAD, n_chunks - HEAD)],
        )

        @pl.loop(0, n_chunks, step=NBUF)
        def _(j0):
            for b in range(NBUF):
                j = j0 + b
                g = j + LOOKAHEAD
                bg = (b + LOOKAHEAD) % NBUF

                @pl.when(g < n_chunks)
                def _():
                    @pl.when(j >= NBUF - LOOKAHEAD)
                    def _():
                        wait_write(bg)

                    start_gather(g, bg)

                wait_gather(j, b)
                start_write(j, b)

        for b in range(NBUF):
            wait_write(b)

    return emb


def kernel(token_ids, weight):
    B, L = token_ids.shape
    D = weight.shape[1]
    out = _build(L, B, D)(token_ids.T, weight)
    return out.reshape(L, B, D).transpose(1, 0, 2)

# --- scband reference (transcript-rebuilt; emitter-appended) ---
"""Pipeline reference for scband-embedding-21036749816377 (READ-ONLY COPY).

The authoritative reference and input builder live on the scoring server;
editing this copy changes nothing except your own understanding.
"""

import jax, jax.numpy as jnp
import numpy as np

NUM_EMBEDDING = 100000
EMBEDDING_DIM = 128

def setup_inputs(seed: int = 0) -> dict:
    key = jax.random.key(seed)
    k_idx, k_w = jax.random.split(key)
    token_ids = jax.random.randint(k_idx, (4096, 50), 0, NUM_EMBEDDING, dtype=jnp.int64 if jax.config.jax_enable_x64 else jnp.int32)
    # truncated-normal init, mean=0, std=1, a=-3, b=3 (matches nn.init.trunc_normal_)
    weight = jax.random.truncated_normal(k_w, -3.0, 3.0, (NUM_EMBEDDING, EMBEDDING_DIM), dtype=jnp.float32)
    return {"token_ids": token_ids, "weight": weight}

def reference(token_ids, weight):
    # Embedding lookup: weight[token_ids] -> [B, L, D]
    return jnp.take(weight, token_ids, axis=0)

if __name__ == "__main__":
    import jax
    _d = setup_inputs()
    print(jax.jit(kernel)(*tuple(_d.values())))

</pallas_src>

<mosaic_0001>
#map = affine_map<(d0, d1) -> (0, 0)>
module attributes {stable_mosaic.version = 14 : i64} {
  func.func @emb(%arg0: i32, %arg1: i32, %arg2: memref<50x4096xi32, #tpu.memory_space<hbm>>, %arg3: memref<100000x128xf32, #tpu.memory_space<hbm>>, %arg4: memref<204800x128xf32, #tpu.memory_space<hbm>>, %arg5: memref<50x128xi32, #tpu.memory_space<vmem>>, %arg6: memref<128x128xf32, #tpu.memory_space<vmem>>, %arg7: memref<128x128xf32, #tpu.memory_space<vmem>>, %arg8: memref<128x128xf32, #tpu.memory_space<vmem>>, %arg9: memref<128x128xf32, #tpu.memory_space<vmem>>, %arg10: memref<128x128xf32, #tpu.memory_space<vmem>>, %arg11: memref<!tpu.dma_semaphore, #tpu.memory_space<semaphore_mem>>, %arg12: memref<!tpu.dma_semaphore, #tpu.memory_space<semaphore_mem>>, %arg13: memref<!tpu.dma_semaphore, #tpu.memory_space<semaphore_mem>>, %arg14: memref<!tpu.dma_semaphore, #tpu.memory_space<semaphore_mem>>, %arg15: memref<!tpu.dma_semaphore, #tpu.memory_space<semaphore_mem>>, %arg16: memref<!tpu.dma_semaphore, #tpu.memory_space<semaphore_mem>>, %arg17: memref<!tpu.dma_semaphore, #tpu.memory_space<semaphore_mem>>, %arg18: memref<!tpu.dma_semaphore, #tpu.memory_space<semaphore_mem>>, %arg19: memref<!tpu.dma_semaphore, #tpu.memory_space<semaphore_mem>>, %arg20: memref<!tpu.dma_semaphore, #tpu.memory_space<semaphore_mem>>) attributes {dimension_semantics = [#tpu.dimension_semantics<core_parallel>, #tpu.dimension_semantics<subcore_parallel>], iteration_bounds = array<i64: 2, 16>, scalar_prefetch = 0 : i64, scratch_operands = 16 : i64, tpu.core_type = #tpu.core_type<sc_vector_subcore>, window_params = [{transform_indices = #map}, {transform_indices = #map}, {transform_indices = #map}]} {
    %mul3A = arith.constant 2 : i32
    %mul3A_0 = arith.muli %arg1, %mul3A : i32
    %add3A = arith.addi %mul3A_0, %arg0 : i32
    %mul3A_1 = arith.constant 128 : i32
    %mul3A_2 = arith.muli %add3A, %mul3A_1 : i32
    "tpu.region"() ({
      %run_scoped3A = tpu.sem_alloc : memref<!tpu.dma_semaphore, #tpu.memory_space<semaphore_mem>>
      %dma_start3A_56 = arith.constant 0 : i32
      %dma_start3A_57 = arith.constant 0 : i32
      %dma_start3A_58 = tpu.memref_slice %arg5[%dma_start3A_56, %dma_start3A_57] : memref<50x128xi32, #tpu.memory_space<vmem>> -> memref<8x128xi32, #tpu.memory_space<vmem>>
      %dma_start3A_59 = arith.constant 0 : i32
      %dma_start3A_60 = tpu.memref_slice %arg2[%dma_start3A_59, %mul3A_2] : memref<50x4096xi32, #tpu.memory_space<hbm>> -> memref<8x128xi32, #tpu.memory_space<hbm>>
      %dma_start3A_61 = arith.constant 0 : i32
      %dma_start3A_62 = arith.constant 0 : i32
      %dma_start3A_63 = tpu.memref_slice %arg5[%dma_start3A_61, %dma_start3A_62] : memref<50x128xi32, #tpu.memory_space<vmem>> -> memref<8x128xi32, #tpu.memory_space<vmem>>
      %dma_start3A_64 = arith.constant 0 : i32
      %dma_start3A_65 = tpu.memref_slice %arg2[%dma_start3A_64, %mul3A_2] : memref<50x4096xi32, #tpu.memory_space<hbm>> -> memref<8x128xi32, #tpu.memory_space<hbm>>
      tpu.enqueue_dma source(%dma_start3A_65 : memref<8x128xi32, #tpu.memory_space<hbm>>) target(%dma_start3A_63 : memref<8x128xi32, #tpu.memory_space<vmem>>) target_semaphore(%run_scoped3A : memref<!tpu.dma_semaphore, #tpu.memory_space<semaphore_mem>>)
      %dma_wait3A_66 = arith.constant 0 : i32
      %dma_wait3A_67 = arith.constant 0 : i32
      %dma_wait3A_68 = tpu.memref_slice %arg5[%dma_wait3A_66, %dma_wait3A_67] : memref<50x128xi32, #tpu.memory_space<vmem>> -> memref<8x128xi32, #tpu.memory_space<vmem>>
      %dma_wait3A_69 = arith.constant 0 : i32
      %dma_wait3A_70 = tpu.memref_slice %arg2[%dma_wait3A_69, %mul3A_2] : memref<50x4096xi32, #tpu.memory_space<hbm>> -> memref<8x128xi32, #tpu.memory_space<hbm>>
      %dma_wait3A_71 = arith.constant 0 : i32
      %dma_wait3A_72 = arith.constant 0 : i32
      %dma_wait3A_73 = tpu.memref_slice %arg5[%dma_wait3A_71, %dma_wait3A_72] : memref<50x128xi32, #tpu.memory_space<vmem>> -> memref<8x128xi32, #tpu.memory_space<vmem>>
      %dma_wait3A_74 = arith.constant 0 : i32
      %dma_wait3A_75 = tpu.memref_slice %arg2[%dma_wait3A_74, %mul3A_2] : memref<50x4096xi32, #tpu.memory_space<hbm>> -> memref<8x128xi32, #tpu.memory_space<hbm>>
      tpu.wait_dma2 semaphore(%run_scoped3A : memref<!tpu.dma_semaphore, #tpu.memory_space<semaphore_mem>>) src(%dma_wait3A_75 : memref<8x128xi32, #tpu.memory_space<hbm>>) dst(%dma_wait3A_73 : memref<8x128xi32, #tpu.memory_space<vmem>>)
      tpu.yield
    }) : () -> ()
    %dma_start3A = arith.constant 0 : i32
    %dma_start3A_3 = arith.constant 0 : i32
    %dma_start3A_4 = tpu.memref_slice %arg5[%dma_start3A, %dma_start3A_3] : memref<50x128xi32, #tpu.memory_space<vmem>> -> memref<1x128xi32, #tpu.memory_space<vmem>>
    %dma_start3A_5 = tpu.memref_squeeze %dma_start3A_4 : memref<1x128xi32, #tpu.memory_space<vmem>> -> memref<128xi32, #tpu.memory_space<vmem>>
    %dma_start3A_6 = arith.constant 0 : i32
    %dma_start3A_7 = arith.constant 0 : i32
    %dma_start3A_8 = tpu.memref_slice %arg3[%dma_start3A_6, %dma_start3A_7] : memref<100000x128xf32, #tpu.memory_space<hbm>> -> memref<100000x128xf32, #tpu.memory_space<hbm>>
    tpu.enqueue_indirect_dma source(%dma_start3A_8 : memref<100000x128xf32, #tpu.memory_space<hbm>>) target(%arg6 : memref<128x128xf32, #tpu.memory_space<vmem>>) offsets(%dma_start3A_5 : memref<128xi32, #tpu.memory_space<vmem>>) semaphore(%arg11 : memref<!tpu.dma_semaphore, #tpu.memory_space<semaphore_mem>>)
    %dma_start3A_9 = arith.constant 1 : i32
    %dma_start3A_10 = arith.constant 0 : i32
    %dma_start3A_11 = tpu.memref_slice %arg5[%dma_start3A_9, %dma_start3A_10] : memref<50x128xi32, #tpu.memory_space<vmem>> -> memref<1x128xi32, #tpu.memory_space<vmem>>
    %dma_start3A_12 = tpu.memref_squeeze %dma_start3A_11 : memref<1x128xi32, #tpu.memory_space<vmem>> -> memref<128xi32, #tpu.memory_space<vmem>>
    %dma_start3A_13 = arith.constant 0 : i32
    %dma_start3A_14 = arith.constant 0 : i32
    %dma_start3A_15 = tpu.memref_slice %arg3[%dma_start3A_13, %dma_start3A_14] : memref<100000x128xf32, #tpu.memory_space<hbm>> -> memref<100000x128xf32, #tpu.memory_space<hbm>>
    tpu.enqueue_indirect_dma source(%dma_start3A_15 : memref<100000x128xf32, #tpu.memory_space<hbm>>) target(%arg7 : memref<128x128xf32, #tpu.memory_space<vmem>>) offsets(%dma_start3A_12 : memref<128xi32, #tpu.memory_space<vmem>>) semaphore(%arg12 : memref<!tpu.dma_semaphore, #tpu.memory_space<semaphore_mem>>)
    %dma_start3A_16 = arith.constant 2 : i32
    %dma_start3A_17 = arith.constant 0 : i32
    %dma_start3A_18 = tpu.memref_slice %arg5[%dma_start3A_16, %dma_start3A_17] : memref<50x128xi32, #tpu.memory_space<vmem>> -> memref<1x128xi32, #tpu.memory_space<vmem>>
    %dma_start3A_19 = tpu.memref_squeeze %dma_start3A_18 : memref<1x128xi32, #tpu.memory_space<vmem>> -> memref<128xi32, #tpu.memory_space<vmem>>
    %dma_start3A_20 = arith.constant 0 : i32
    %dma_start3A_21 = arith.constant 0 : i32
    %dma_start3A_22 = tpu.memref_slice %arg3[%dma_start3A_20, %dma_start3A_21] : memref<100000x128xf32, #tpu.memory_space<hbm>> -> memref<100000x128xf32, #tpu.memory_space<hbm>>
    tpu.enqueue_indirect_dma source(%dma_start3A_22 : memref<100000x128xf32, #tpu.memory_space<hbm>>) target(%arg8 : memref<128x128xf32, #tpu.memory_space<vmem>>) offsets(%dma_start3A_19 : memref<128xi32, #tpu.memory_space<vmem>>) semaphore(%arg13 : memref<!tpu.dma_semaphore, #tpu.memory_space<semaphore_mem>>)
    "tpu.region"() ({
      %run_scoped3A = tpu.sem_alloc : memref<!tpu.dma_semaphore, #tpu.memory_space<semaphore_mem>>
      %dma_start3A_56 = arith.constant 8 : i32
      %dma_start3A_57 = arith.constant 0 : i32
      %dma_start3A_58 = tpu.memref_slice %arg5[%dma_start3A_56, %dma_start3A_57] : memref<50x128xi32, #tpu.memory_space<vmem>> -> memref<42x128xi32, #tpu.memory_space<vmem>>
      %dma_start3A_59 = arith.constant 8 : i32
      %dma_start3A_60 = tpu.memref_slice %arg2[%dma_start3A_59, %mul3A_2] : memref<50x4096xi32, #tpu.memory_space<hbm>> -> memref<42x128xi32, #tpu.memory_space<hbm>>
      %dma_start3A_61 = arith.constant 8 : i32
      %dma_start3A_62 = arith.constant 0 : i32
      %dma_start3A_63 = tpu.memref_slice %arg5[%dma_start3A_61, %dma_start3A_62] : memref<50x128xi32, #tpu.memory_space<vmem>> -> memref<42x128xi32, #tpu.memory_space<vmem>>
      %dma_start3A_64 = arith.constant 8 : i32
      %dma_start3A_65 = tpu.memref_slice %arg2[%dma_start3A_64, %mul3A_2] : memref<50x4096xi32, #tpu.memory_space<hbm>> -> memref<42x128xi32, #tpu.memory_space<hbm>>
      tpu.enqueue_dma source(%dma_start3A_65 : memref<42x128xi32, #tpu.memory_space<hbm>>) target(%dma_start3A_63 : memref<42x128xi32, #tpu.memory_space<vmem>>) target_semaphore(%run_scoped3A : memref<!tpu.dma_semaphore, #tpu.memory_space<semaphore_mem>>)
      %dma_wait3A_66 = arith.constant 8 : i32
      %dma_wait3A_67 = arith.constant 0 : i32
      %dma_wait3A_68 = tpu.memref_slice %arg5[%dma_wait3A_66, %dma_wait3A_67] : memref<50x128xi32, #tpu.memory_space<vmem>> -> memref<42x128xi32, #tpu.memory_space<vmem>>
      %dma_wait3A_69 = arith.constant 8 : i32
      %dma_wait3A_70 = tpu.memref_slice %arg2[%dma_wait3A_69, %mul3A_2] : memref<50x4096xi32, #tpu.memory_space<hbm>> -> memref<42x128xi32, #tpu.memory_space<hbm>>
      %dma_wait3A_71 = arith.constant 8 : i32
      %dma_wait3A_72 = arith.constant 0 : i32
      %dma_wait3A_73 = tpu.memref_slice %arg5[%dma_wait3A_71, %dma_wait3A_72] : memref<50x128xi32, #tpu.memory_space<vmem>> -> memref<42x128xi32, #tpu.memory_space<vmem>>
      %dma_wait3A_74 = arith.constant 8 : i32
      %dma_wait3A_75 = tpu.memref_slice %arg2[%dma_wait3A_74, %mul3A_2] : memref<50x4096xi32, #tpu.memory_space<hbm>> -> memref<42x128xi32, #tpu.memory_space<hbm>>
      tpu.wait_dma2 semaphore(%run_scoped3A : memref<!tpu.dma_semaphore, #tpu.memory_space<semaphore_mem>>) src(%dma_wait3A_75 : memref<42x128xi32, #tpu.memory_space<hbm>>) dst(%dma_wait3A_73 : memref<42x128xi32, #tpu.memory_space<vmem>>)
      tpu.yield
    }) : () -> ()
    %scan3A = arith.constant 0 : i32
    %scan3A_23 = arith.constant 10 : i32
    %scan3A_24 = arith.addi %scan3A, %scan3A_23 : i32
    %scan3A_25 = arith.constant 1 : i32
    scf.for %scan3A_56 = %scan3A to %scan3A_24 step %scan3A_25  : i32 {
      %mul3A_57 = arith.constant 5 : i32
      %mul3A_58 = arith.muli %scan3A_56, %mul3A_57 : i32
      %add3A_59 = arith.constant 0 : i32
      %add3A_60 = arith.addi %add3A_59, %mul3A_58 : i32
      %add3A_61 = arith.constant 0 : i32
      %add3A_62 = arith.addi %add3A_60, %add3A_61 : i32
      %add3A_63 = arith.constant 3 : i32
      %add3A_64 = arith.addi %add3A_62, %add3A_63 : i32
      %lt3A = arith.constant 50 : i32
      %lt3A_65 = arith.cmpi slt, %add3A_64, %lt3A : i32
      %convert_element_type3A = arith.extui %lt3A_65 : i1 to i32
      %cond3A = arith.constant 0 : i32
      %cond3A_66 = arith.cmpi ne, %convert_element_type3A, %cond3A : i32
      scf.if %cond3A_66 {
        %ge3A = arith.constant 2 : i32
        %ge3A_168 = arith.cmpi sge, %add3A_62, %ge3A : i32
        %convert_element_type3A_169 = arith.extui %ge3A_168 : i1 to i32
        %cond3A_170 = arith.constant 0 : i32
        %cond3A_171 = arith.cmpi ne, %convert_element_type3A_169, %cond3A_170 : i32
        scf.if %cond3A_171 {
          %dma_wait3A_178 = arith.constant 0 : i32
          %dma_wait3A_179 = arith.constant 0 : i32
          %dma_wait3A_180 = tpu.memref_slice %arg4[%dma_wait3A_178, %dma_wait3A_179] : memref<204800x128xf32, #tpu.memory_space<hbm>> -> memref<128x128xf32, #tpu.memory_space<hbm>>
          %dma_wait3A_181 = arith.constant 0 : i32
          %dma_wait3A_182 = arith.constant 0 : i32
          %dma_wait3A_183 = tpu.memref_slice %arg4[%dma_wait3A_181, %dma_wait3A_182] : memref<204800x128xf32, #tpu.memory_space<hbm>> -> memref<128x128xf32, #tpu.memory_space<hbm>>
          tpu.wait_dma2 semaphore(%arg19 : memref<!tpu.dma_semaphore, #tpu.memory_space<semaphore_mem>>) src(%arg9 : memref<128x128xf32, #tpu.memory_space<vmem>>) dst(%dma_wait3A_183 : memref<128x128xf32, #tpu.memory_space<hbm>>)
        } else {
        }
        %dma_start3A_172 = arith.constant 0 : i32
        %dma_start3A_173 = tpu.memref_slice %arg5[%add3A_64, %dma_start3A_172] : memref<50x128xi32, #tpu.memory_space<vmem>> -> memref<1x128xi32, #tpu.memory_space<vmem>>
        %dma_start3A_174 = tpu.memref_squeeze %dma_start3A_173 : memref<1x128xi32, #tpu.memory_space<vmem>> -> memref<128xi32, #tpu.memory_space<vmem>>
        %dma_start3A_175 = arith.constant 0 : i32
        %dma_start3A_176 = arith.constant 0 : i32
        %dma_start3A_177 = tpu.memref_slice %arg3[%dma_start3A_175, %dma_start3A_176] : memref<100000x128xf32, #tpu.memory_space<hbm>> -> memref<100000x128xf32, #tpu.memory_space<hbm>>
        tpu.enqueue_indirect_dma source(%dma_start3A_177 : memref<100000x128xf32, #tpu.memory_space<hbm>>) target(%arg9 : memref<128x128xf32, #tpu.memory_space<vmem>>) offsets(%dma_start3A_174 : memref<128xi32, #tpu.memory_space<vmem>>) semaphore(%arg14 : memref<!tpu.dma_semaphore, #tpu.memory_space<semaphore_mem>>)
      } else {
      }
      %dma_wait3A_67 = arith.constant 0 : i32
      %dma_wait3A_68 = tpu.memref_slice %arg5[%add3A_62, %dma_wait3A_67] : memref<50x128xi32, #tpu.memory_space<vmem>> -> memref<1x128xi32, #tpu.memory_space<vmem>>
      %dma_wait3A_69 = tpu.memref_squeeze %dma_wait3A_68 : memref<1x128xi32, #tpu.memory_space<vmem>> -> memref<128xi32, #tpu.memory_space<vmem>>
      %dma_wait3A_70 = arith.constant 0 : i32
      %dma_wait3A_71 = arith.constant 0 : i32
      %dma_wait3A_72 = tpu.memref_slice %arg3[%dma_wait3A_70, %dma_wait3A_71] : memref<100000x128xf32, #tpu.memory_space<hbm>> -> memref<100000x128xf32, #tpu.memory_space<hbm>>
      tpu.wait_indirect_dma semaphore(%arg11 : memref<!tpu.dma_semaphore, #tpu.memory_space<semaphore_mem>>) src(%dma_wait3A_72 : memref<100000x128xf32, #tpu.memory_space<hbm>>) dst(%arg6 : memref<128x128xf32, #tpu.memory_space<vmem>>)
      %mul3A_73 = arith.constant 4096 : i32
      %mul3A_74 = arith.muli %add3A_62, %mul3A_73 : i32
      %add3A_75 = arith.addi %mul3A_74, %mul3A_2 : i32
      %dma_start3A_76 = arith.constant 0 : i32
      %dma_start3A_77 = tpu.memref_slice %arg4[%add3A_75, %dma_start3A_76] : memref<204800x128xf32, #tpu.memory_space<hbm>> -> memref<128x128xf32, #tpu.memory_space<hbm>>
      %dma_start3A_78 = arith.constant 0 : i32
      %dma_start3A_79 = tpu.memref_slice %arg4[%add3A_75, %dma_start3A_78] : memref<204800x128xf32, #tpu.memory_space<hbm>> -> memref<128x128xf32, #tpu.memory_space<hbm>>
      tpu.enqueue_dma source(%arg6 : memref<128x128xf32, #tpu.memory_space<vmem>>) target(%dma_start3A_79 : memref<128x128xf32, #tpu.memory_space<hbm>>) target_semaphore(%arg16 : memref<!tpu.dma_semaphore, #tpu.memory_space<semaphore_mem>>)
      %add3A_80 = arith.constant 1 : i32
      %add3A_81 = arith.addi %add3A_60, %add3A_80 : i32
      %add3A_82 = arith.constant 3 : i32
      %add3A_83 = arith.addi %add3A_81, %add3A_82 : i32
      %lt3A_84 = arith.constant 50 : i32
      %lt3A_85 = arith.cmpi slt, %add3A_83, %lt3A_84 : i32
      %convert_element_type3A_86 = arith.extui %lt3A_85 : i1 to i32
      %cond3A_87 = arith.constant 0 : i32
      %cond3A_88 = arith.cmpi ne, %convert_element_type3A_86, %cond3A_87 : i32
      scf.if %cond3A_88 {
        %ge3A = arith.constant 2 : i32
        %ge3A_168 = arith.cmpi sge, %add3A_81, %ge3A : i32
        %convert_element_type3A_169 = arith.extui %ge3A_168 : i1 to i32
        %cond3A_170 = arith.constant 0 : i32
        %cond3A_171 = arith.cmpi ne, %convert_element_type3A_169, %cond3A_170 : i32
        scf.if %cond3A_171 {
          %dma_wait3A_178 = arith.constant 0 : i32
          %dma_wait3A_179 = arith.constant 0 : i32
          %dma_wait3A_180 = tpu.memref_slice %arg4[%dma_wait3A_178, %dma_wait3A_179] : memref<204800x128xf32, #tpu.memory_space<hbm>> -> memref<128x128xf32, #tpu.memory_space<hbm>>
          %dma_wait3A_181 = arith.constant 0 : i32
          %dma_wait3A_182 = arith.constant 0 : i32
          %dma_wait3A_183 = tpu.memref_slice %arg4[%dma_wait3A_181, %dma_wait3A_182] : memref<204800x128xf32, #tpu.memory_space<hbm>> -> memref<128x128xf32, #tpu.memory_space<hbm>>
          tpu.wait_dma2 semaphore(%arg20 : memref<!tpu.dma_semaphore, #tpu.memory_space<semaphore_mem>>) src(%arg10 : memref<128x128xf32, #tpu.memory_space<vmem>>) dst(%dma_wait3A_183 : memref<128x128xf32, #tpu.memory_space<hbm>>)
        } else {
        }
        %dma_start3A_172 = arith.constant 0 : i32
        %dma_start3A_173 = tpu.memref_slice %arg5[%add3A_83, %dma_start3A_172] : memref<50x128xi32, #tpu.memory_space<vmem>> -> memref<1x128xi32, #tpu.memory_space<vmem>>
        %dma_start3A_174 = tpu.memref_squeeze %dma_start3A_173 : memref<1x128xi32, #tpu.memory_space<vmem>> -> memref<128xi32, #tpu.memory_space<vmem>>
        %dma_start3A_175 = arith.constant 0 : i32
        %dma_start3A_176 = arith.constant 0 : i32
        %dma_start3A_177 = tpu.memref_slice %arg3[%dma_start3A_175, %dma_start3A_176] : memref<100000x128xf32, #tpu.memory_space<hbm>> -> memref<100000x128xf32, #tpu.memory_space<hbm>>
        tpu.enqueue_indirect_dma source(%dma_start3A_177 : memref<100000x128xf32, #tpu.memory_space<hbm>>) target(%arg10 : memref<128x128xf32, #tpu.memory_space<vmem>>) offsets(%dma_start3A_174 : memref<128xi32, #tpu.memory_space<vmem>>) semaphore(%arg15 : memref<!tpu.dma_semaphore, #tpu.memory_space<semaphore_mem>>)
      } else {
      }
      %dma_wait3A_89 = arith.constant 0 : i32
      %dma_wait3A_90 = tpu.memref_slice %arg5[%add3A_81, %dma_wait3A_89] : memref<50x128xi32, #tpu.memory_space<vmem>> -> memref<1x128xi32, #tpu.memory_space<vmem>>
      %dma_wait3A_91 = tpu.memref_squeeze %dma_wait3A_90 : memref<1x128xi32, #tpu.memory_space<vmem>> -> memref<128xi32, #tpu.memory_space<vmem>>
      %dma_wait3A_92 = arith.constant 0 : i32
      %dma_wait3A_93 = arith.constant 0 : i32
      %dma_wait3A_94 = tpu.memref_slice %arg3[%dma_wait3A_92, %dma_wait3A_93] : memref<100000x128xf32, #tpu.memory_space<hbm>> -> memref<100000x128xf32, #tpu.memory_space<hbm>>
      tpu.wait_indirect_dma semaphore(%arg12 : memref<!tpu.dma_semaphore, #tpu.memory_space<semaphore_mem>>) src(%dma_wait3A_94 : memref<100000x128xf32, #tpu.memory_space<hbm>>) dst(%arg7 : memref<128x128xf32, #tpu.memory_space<vmem>>)
      %mul3A_95 = arith.constant 4096 : i32
      %mul3A_96 = arith.muli %add3A_81, %mul3A_95 : i32
      %add3A_97 = arith.addi %mul3A_96, %mul3A_2 : i32
      %dma_start3A_98 = arith.constant 0 : i32
      %dma_start3A_99 = tpu.memref_slice %arg4[%add3A_97, %dma_start3A_98] : memref<204800x128xf32, #tpu.memory_space<hbm>> -> memref<128x128xf32, #tpu.memory_space<hbm>>
      %dma_start3A_100 = arith.constant 0 : i32
      %dma_start3A_101 = tpu.memref_slice %arg4[%add3A_97, %dma_start3A_100] : memref<204800x128xf32, #tpu.memory_space<hbm>> -> memref<128x128xf32, #tpu.memory_space<hbm>>
      tpu.enqueue_dma source(%arg7 : memref<128x128xf32, #tpu.memory_space<vmem>>) target(%dma_start3A_101 : memref<128x128xf32, #tpu.memory_space<hbm>>) target_semaphore(%arg17 : memref<!tpu.dma_semaphore, #tpu.memory_space<semaphore_mem>>)
      %add3A_102 = arith.constant 2 : i32
      %add3A_103 = arith.addi %add3A_60, %add3A_102 : i32
      %add3A_104 = arith.constant 3 : i32
      %add3A_105 = arith.addi %add3A_103, %add3A_104 : i32
      %lt3A_106 = arith.constant 50 : i32
      %lt3A_107 = arith.cmpi slt, %add3A_105, %lt3A_106 : i32
      %convert_element_type3A_108 = arith.extui %lt3A_107 : i1 to i32
      %cond3A_109 = arith.constant 0 : i32
      %cond3A_110 = arith.cmpi ne, %convert_element_type3A_108, %cond3A_109 : i32
      scf.if %cond3A_110 {
        %ge3A = arith.constant 2 : i32
        %ge3A_168 = arith.cmpi sge, %add3A_103, %ge3A : i32
        %convert_element_type3A_169 = arith.extui %ge3A_168 : i1 to i32
        %cond3A_170 = arith.constant 0 : i32
        %cond3A_171 = arith.cmpi ne, %convert_element_type3A_169, %cond3A_170 : i32
        scf.if %cond3A_171 {
          %dma_wait3A_178 = arith.constant 0 : i32
          %dma_wait3A_179 = arith.constant 0 : i32
          %dma_wait3A_180 = tpu.memref_slice %arg4[%dma_wait3A_178, %dma_wait3A_179] : memref<204800x128xf32, #tpu.memory_space<hbm>> -> memref<128x128xf32, #tpu.memory_space<hbm>>
          %dma_wait3A_181 = arith.constant 0 : i32
          %dma_wait3A_182 = arith.constant 0 : i32
          %dma_wait3A_183 = tpu.memref_slice %arg4[%dma_wait3A_181, %dma_wait3A_182] : memref<204800x128xf32, #tpu.memory_space<hbm>> -> memref<128x128xf32, #tpu.memory_space<hbm>>
          tpu.wait_dma2 semaphore(%arg16 : memref<!tpu.dma_semaphore, #tpu.memory_space<semaphore_mem>>) src(%arg6 : memref<128x128xf32, #tpu.memory_space<vmem>>) dst(%dma_wait3A_183 : memref<128x128xf32, #tpu.memory_space<hbm>>)
        } else {
        }
        %dma_start3A_172 = arith.constant 0 : i32
        %dma_start3A_173 = tpu.memref_slice %arg5[%add3A_105, %dma_start3A_172] : memref<50x128xi32, #tpu.memory_space<vmem>> -> memref<1x128xi32, #tpu.memory_space<vmem>>
        %dma_start3A_174 = tpu.memref_squeeze %dma_start3A_173 : memref<1x128xi32, #tpu.memory_space<vmem>> -> memref<128xi32, #tpu.memory_space<vmem>>
        %dma_start3A_175 = arith.constant 0 : i32
        %dma_start3A_176 = arith.constant 0 : i32
        %dma_start3A_177 = tpu.memref_slice %arg3[%dma_start3A_175, %dma_start3A_176] : memref<100000x128xf32, #tpu.memory_space<hbm>> -> memref<100000x128xf32, #tpu.memory_space<hbm>>
        tpu.enqueue_indirect_dma source(%dma_start3A_177 : memref<100000x128xf32, #tpu.memory_space<hbm>>) target(%arg6 : memref<128x128xf32, #tpu.memory_space<vmem>>) offsets(%dma_start3A_174 : memref<128xi32, #tpu.memory_space<vmem>>) semaphore(%arg11 : memref<!tpu.dma_semaphore, #tpu.memory_space<semaphore_mem>>)
      } else {
      }
      %dma_wait3A_111 = arith.constant 0 : i32
      %dma_wait3A_112 = tpu.memref_slice %arg5[%add3A_103, %dma_wait3A_111] : memref<50x128xi32, #tpu.memory_space<vmem>> -> memref<1x128xi32, #tpu.memory_space<vmem>>
      %dma_wait3A_113 = tpu.memref_squeeze %dma_wait3A_112 : memref<1x128xi32, #tpu.memory_space<vmem>> -> memref<128xi32, #tpu.memory_space<vmem>>
      %dma_wait3A_114 = arith.constant 0 : i32
      %dma_wait3A_115 = arith.constant 0 : i32
      %dma_wait3A_116 = tpu.memref_slice %arg3[%dma_wait3A_114, %dma_wait3A_115] : memref<100000x128xf32, #tpu.memory_space<hbm>> -> memref<100000x128xf32, #tpu.memory_space<hbm>>
      tpu.wait_indirect_dma semaphore(%arg13 : memref<!tpu.dma_semaphore, #tpu.memory_space<semaphore_mem>>) src(%dma_wait3A_116 : memref<100000x128xf32, #tpu.memory_space<hbm>>) dst(%arg8 : memref<128x128xf32, #tpu.memory_space<vmem>>)
      %mul3A_117 = arith.constant 4096 : i32
      %mul3A_118 = arith.muli %add3A_103, %mul3A_117 : i32
      %add3A_119 = arith.addi %mul3A_118, %mul3A_2 : i32
      %dma_start3A_120 = arith.constant 0 : i32
      %dma_start3A_121 = tpu.memref_slice %arg4[%add3A_119, %dma_start3A_120] : memref<204800x128xf32, #tpu.memory_space<hbm>> -> memref<128x128xf32, #tpu.memory_space<hbm>>
      %dma_start3A_122 = arith.constant 0 : i32
      %dma_start3A_123 = tpu.memref_slice %arg4[%add3A_119, %dma_start3A_122] : memref<204800x128xf32, #tpu.memory_space<hbm>> -> memref<128x128xf32, #tpu.memory_space<hbm>>
      tpu.enqueue_dma source(%arg8 : memref<128x128xf32, #tpu.memory_space<vmem>>) target(%dma_start3A_123 : memref<128x128xf32, #tpu.memory_space<hbm>>) target_semaphore(%arg18 : memref<!tpu.dma_semaphore, #tpu.memory_space<semaphore_mem>>)
      %add3A_124 = arith.constant 3 : i32
      %add3A_125 = arith.addi %add3A_60, %add3A_124 : i32
      %add3A_126 = arith.constant 3 : i32
      %add3A_127 = arith.addi %add3A_125, %add3A_126 : i32
      %lt3A_128 = arith.constant 50 : i32
      %lt3A_129 = arith.cmpi slt, %add3A_127, %lt3A_128 : i32
      %convert_element_type3A_130 = arith.extui %lt3A_129 : i1 to i32
      %cond3A_131 = arith.constant 0 : i32
      %cond3A_132 = arith.cmpi ne, %convert_element_type3A_130, %cond3A_131 : i32
      scf.if %cond3A_132 {
        %ge3A = arith.constant 2 : i32
        %ge3A_168 = arith.cmpi sge, %add3A_125, %ge3A : i32
        %convert_element_type3A_169 = arith.extui %ge3A_168 : i1 to i32
        %cond3A_170 = arith.constant 0 : i32
        %cond3A_171 = arith.cmpi ne, %convert_element_type3A_169, %cond3A_170 : i32
        scf.if %cond3A_171 {
          %dma_wait3A_178 = arith.constant 0 : i32
          %dma_wait3A_179 = arith.constant 0 : i32
          %dma_wait3A_180 = tpu.memref_slice %arg4[%dma_wait3A_178, %dma_wait3A_179] : memref<204800x128xf32, #tpu.memory_space<hbm>> -> memref<128x128xf32, #tpu.memory_space<hbm>>
          %dma_wait3A_181 = arith.constant 0 : i32
          %dma_wait3A_182 = arith.constant 0 : i32
          %dma_wait3A_183 = tpu.memref_slice %arg4[%dma_wait3A_181, %dma_wait3A_182] : memref<204800x128xf32, #tpu.memory_space<hbm>> -> memref<128x128xf32, #tpu.memory_space<hbm>>
          tpu.wait_dma2 semaphore(%arg17 : memref<!tpu.dma_semaphore, #tpu.memory_space<semaphore_mem>>) src(%arg7 : memref<128x128xf32, #tpu.memory_space<vmem>>) dst(%dma_wait3A_183 : memref<128x128xf32, #tpu.memory_space<hbm>>)
        } else {
        }
        %dma_start3A_172 = arith.constant 0 : i32
        %dma_start3A_173 = tpu.memref_slice %arg5[%add3A_127, %dma_start3A_172] : memref<50x128xi32, #tpu.memory_space<vmem>> -> memref<1x128xi32, #tpu.memory_space<vmem>>
        %dma_start3A_174 = tpu.memref_squeeze %dma_start3A_173 : memref<1x128xi32, #tpu.memory_space<vmem>> -> memref<128xi32, #tpu.memory_space<vmem>>
        %dma_start3A_175 = arith.constant 0 : i32
        %dma_start3A_176 = arith.constant 0 : i32
        %dma_start3A_177 = tpu.memref_slice %arg3[%dma_start3A_175, %dma_start3A_176] : memref<100000x128xf32, #tpu.memory_space<hbm>> -> memref<100000x128xf32, #tpu.memory_space<hbm>>
        tpu.enqueue_indirect_dma source(%dma_start3A_177 : memref<100000x128xf32, #tpu.memory_space<hbm>>) target(%arg7 : memref<128x128xf32, #tpu.memory_space<vmem>>) offsets(%dma_start3A_174 : memref<128xi32, #tpu.memory_space<vmem>>) semaphore(%arg12 : memref<!tpu.dma_semaphore, #tpu.memory_space<semaphore_mem>>)
      } else {
      }
      %dma_wait3A_133 = arith.constant 0 : i32
      %dma_wait3A_134 = tpu.memref_slice %arg5[%add3A_125, %dma_wait3A_133] : memref<50x128xi32, #tpu.memory_space<vmem>> -> memref<1x128xi32, #tpu.memory_space<vmem>>
      %dma_wait3A_135 = tpu.memref_squeeze %dma_wait3A_134 : memref<1x128xi32, #tpu.memory_space<vmem>> -> memref<128xi32, #tpu.memory_space<vmem>>
      %dma_wait3A_136 = arith.constant 0 : i32
      %dma_wait3A_137 = arith.constant 0 : i32
      %dma_wait3A_138 = tpu.memref_slice %arg3[%dma_wait3A_136, %dma_wait3A_137] : memref<100000x128xf32, #tpu.memory_space<hbm>> -> memref<100000x128xf32, #tpu.memory_space<hbm>>
      tpu.wait_indirect_dma semaphore(%arg14 : memref<!tpu.dma_semaphore, #tpu.memory_space<semaphore_mem>>) src(%dma_wait3A_138 : memref<100000x128xf32, #tpu.memory_space<hbm>>) dst(%arg9 : memref<128x128xf32, #tpu.memory_space<vmem>>)
      %mul3A_139 = arith.constant 4096 : i32
      %mul3A_140 = arith.muli %add3A_125, %mul3A_139 : i32
      %add3A_141 = arith.addi %mul3A_140, %mul3A_2 : i32
      %dma_start3A_142 = arith.constant 0 : i32
      %dma_start3A_143 = tpu.memref_slice %arg4[%add3A_141, %dma_start3A_142] : memref<204800x128xf32, #tpu.memory_space<hbm>> -> memref<128x128xf32, #tpu.memory_space<hbm>>
      %dma_start3A_144 = arith.constant 0 : i32
      %dma_start3A_145 = tpu.memref_slice %arg4[%add3A_141, %dma_start3A_144] : memref<204800x128xf32, #tpu.memory_space<hbm>> -> memref<128x128xf32, #tpu.memory_space<hbm>>
      tpu.enqueue_dma source(%arg9 : memref<128x128xf32, #tpu.memory_space<vmem>>) target(%dma_start3A_145 : memref<128x128xf32, #tpu.memory_space<hbm>>) target_semaphore(%arg19 : memref<!tpu.dma_semaphore, #tpu.memory_space<semaphore_mem>>)
      %add3A_146 = arith.constant 4 : i32
      %add3A_147 = arith.addi %add3A_60, %add3A_146 : i32
      %add3A_148 = arith.constant 3 : i32
      %add3A_149 = arith.addi %add3A_147, %add3A_148 : i32
      %lt3A_150 = arith.constant 50 : i32
      %lt3A_151 = arith.cmpi slt, %add3A_149, %lt3A_150 : i32
      %convert_element_type3A_152 = arith.extui %lt3A_151 : i1 to i32
      %cond3A_153 = arith.constant 0 : i32
      %cond3A_154 = arith.cmpi ne, %convert_element_type3A_152, %cond3A_153 : i32
      scf.if %cond3A_154 {
        %ge3A = arith.constant 2 : i32
        %ge3A_168 = arith.cmpi sge, %add3A_147, %ge3A : i32
        %convert_element_type3A_169 = arith.extui %ge3A_168 : i1 to i32
        %cond3A_170 = arith.constant 0 : i32
        %cond3A_171 = arith.cmpi ne, %convert_element_type3A_169, %cond3A_170 : i32
        scf.if %cond3A_171 {
          %dma_wait3A_178 = arith.constant 0 : i32
          %dma_wait3A_179 = arith.constant 0 : i32
          %dma_wait3A_180 = tpu.memref_slice %arg4[%dma_wait3A_178, %dma_wait3A_179] : memref<204800x128xf32, #tpu.memory_space<hbm>> -> memref<128x128xf32, #tpu.memory_space<hbm>>
          %dma_wait3A_181 = arith.constant 0 : i32
          %dma_wait3A_182 = arith.constant 0 : i32
          %dma_wait3A_183 = tpu.memref_slice %arg4[%dma_wait3A_181, %dma_wait3A_182] : memref<204800x128xf32, #tpu.memory_space<hbm>> -> memref<128x128xf32, #tpu.memory_space<hbm>>
          tpu.wait_dma2 semaphore(%arg18 : memref<!tpu.dma_semaphore, #tpu.memory_space<semaphore_mem>>) src(%arg8 : memref<128x128xf32, #tpu.memory_space<vmem>>) dst(%dma_wait3A_183 : memref<128x128xf32, #tpu.memory_space<hbm>>)
        } else {
        }
        %dma_start3A_172 = arith.constant 0 : i32
        %dma_start3A_173 = tpu.memref_slice %arg5[%add3A_149, %dma_start3A_172] : memref<50x128xi32, #tpu.memory_space<vmem>> -> memref<1x128xi32, #tpu.memory_space<vmem>>
        %dma_start3A_174 = tpu.memref_squeeze %dma_start3A_173 : memref<1x128xi32, #tpu.memory_space<vmem>> -> memref<128xi32, #tpu.memory_space<vmem>>
        %dma_start3A_175 = arith.constant 0 : i32
        %dma_start3A_176 = arith.constant 0 : i32
        %dma_start3A_177 = tpu.memref_slice %arg3[%dma_start3A_175, %dma_start3A_176] : memref<100000x128xf32, #tpu.memory_space<hbm>> -> memref<100000x128xf32, #tpu.memory_space<hbm>>
        tpu.enqueue_indirect_dma source(%dma_start3A_177 : memref<100000x128xf32, #tpu.memory_space<hbm>>) target(%arg8 : memref<128x128xf32, #tpu.memory_space<vmem>>) offsets(%dma_start3A_174 : memref<128xi32, #tpu.memory_space<vmem>>) semaphore(%arg13 : memref<!tpu.dma_semaphore, #tpu.memory_space<semaphore_mem>>)
      } else {
      }
      %dma_wait3A_155 = arith.constant 0 : i32
      %dma_wait3A_156 = tpu.memref_slice %arg5[%add3A_147, %dma_wait3A_155] : memref<50x128xi32, #tpu.memory_space<vmem>> -> memref<1x128xi32, #tpu.memory_space<vmem>>
      %dma_wait3A_157 = tpu.memref_squeeze %dma_wait3A_156 : memref<1x128xi32, #tpu.memory_space<vmem>> -> memref<128xi32, #tpu.memory_space<vmem>>
      %dma_wait3A_158 = arith.constant 0 : i32
      %dma_wait3A_159 = arith.constant 0 : i32
      %dma_wait3A_160 = tpu.memref_slice %arg3[%dma_wait3A_158, %dma_wait3A_159] : memref<100000x128xf32, #tpu.memory_space<hbm>> -> memref<100000x128xf32, #tpu.memory_space<hbm>>
      tpu.wait_indirect_dma semaphore(%arg15 : memref<!tpu.dma_semaphore, #tpu.memory_space<semaphore_mem>>) src(%dma_wait3A_160 : memref<100000x128xf32, #tpu.memory_space<hbm>>) dst(%arg10 : memref<128x128xf32, #tpu.memory_space<vmem>>)
      %mul3A_161 = arith.constant 4096 : i32
      %mul3A_162 = arith.muli %add3A_147, %mul3A_161 : i32
      %add3A_163 = arith.addi %mul3A_162, %mul3A_2 : i32
      %dma_start3A_164 = arith.constant 0 : i32
      %dma_start3A_165 = tpu.memref_slice %arg4[%add3A_163, %dma_start3A_164] : memref<204800x128xf32, #tpu.memory_space<hbm>> -> memref<128x128xf32, #tpu.memory_space<hbm>>
      %dma_start3A_166 = arith.constant 0 : i32
      %dma_start3A_167 = tpu.memref_slice %arg4[%add3A_163, %dma_start3A_166] : memref<204800x128xf32, #tpu.memory_space<hbm>> -> memref<128x128xf32, #tpu.memory_space<hbm>>
      tpu.enqueue_dma source(%arg10 : memref<128x128xf32, #tpu.memory_space<vmem>>) target(%dma_start3A_167 : memref<128x128xf32, #tpu.memory_space<hbm>>) target_semaphore(%arg20 : memref<!tpu.dma_semaphore, #tpu.memory_space<semaphore_mem>>)
    }
    %scan3A_26 = arith.constant 10 : i32
    %dma_wait3A = arith.constant 0 : i32
    %dma_wait3A_27 = arith.constant 0 : i32
    %dma_wait3A_28 = tpu.memref_slice %arg4[%dma_wait3A, %dma_wait3A_27] : memref<204800x128xf32, #tpu.memory_space<hbm>> -> memref<128x128xf32, #tpu.memory_space<hbm>>
    %dma_wait3A_29 = arith.constant 0 : i32
    %dma_wait3A_30 = arith.constant 0 : i32
    %dma_wait3A_31 = tpu.memref_slice %arg4[%dma_wait3A_29, %dma_wait3A_30] : memref<204800x128xf32, #tpu.memory_space<hbm>> -> memref<128x128xf32, #tpu.memory_space<hbm>>
    tpu.wait_dma2 semaphore(%arg16 : memref<!tpu.dma_semaphore, #tpu.memory_space<semaphore_mem>>) src(%arg6 : memref<128x128xf32, #tpu.memory_space<vmem>>) dst(%dma_wait3A_31 : memref<128x128xf32, #tpu.memory_space<hbm>>)
    %dma_wait3A_32 = arith.constant 0 : i32
    %dma_wait3A_33 = arith.constant 0 : i32
    %dma_wait3A_34 = tpu.memref_slice %arg4[%dma_wait3A_32, %dma_wait3A_33] : memref<204800x128xf32, #tpu.memory_space<hbm>> -> memref<128x128xf32, #tpu.memory_space<hbm>>
    %dma_wait3A_35 = arith.constant 0 : i32
    %dma_wait3A_36 = arith.constant 0 : i32
    %dma_wait3A_37 = tpu.memref_slice %arg4[%dma_wait3A_35, %dma_wait3A_36] : memref<204800x128xf32, #tpu.memory_space<hbm>> -> memref<128x128xf32, #tpu.memory_space<hbm>>
    tpu.wait_dma2 semaphore(%arg17 : memref<!tpu.dma_semaphore, #tpu.memory_space<semaphore_mem>>) src(%arg7 : memref<128x128xf32, #tpu.memory_space<vmem>>) dst(%dma_wait3A_37 : memref<128x128xf32, #tpu.memory_space<hbm>>)
    %dma_wait3A_38 = arith.constant 0 : i32
    %dma_wait3A_39 = arith.constant 0 : i32
    %dma_wait3A_40 = tpu.memref_slice %arg4[%dma_wait3A_38, %dma_wait3A_39] : memref<204800x128xf32, #tpu.memory_space<hbm>> -> memref<128x128xf32, #tpu.memory_space<hbm>>
    %dma_wait3A_41 = arith.constant 0 : i32
    %dma_wait3A_42 = arith.constant 0 : i32
    %dma_wait3A_43 = tpu.memref_slice %arg4[%dma_wait3A_41, %dma_wait3A_42] : memref<204800x128xf32, #tpu.memory_space<hbm>> -> memref<128x128xf32, #tpu.memory_space<hbm>>
    tpu.wait_dma2 semaphore(%arg18 : memref<!tpu.dma_semaphore, #tpu.memory_space<semaphore_mem>>) src(%arg8 : memref<128x128xf32, #tpu.memory_space<vmem>>) dst(%dma_wait3A_43 : memref<128x128xf32, #tpu.memory_space<hbm>>)
    %dma_wait3A_44 = arith.constant 0 : i32
    %dma_wait3A_45 = arith.constant 0 : i32
    %dma_wait3A_46 = tpu.memref_slice %arg4[%dma_wait3A_44, %dma_wait3A_45] : memref<204800x128xf32, #tpu.memory_space<hbm>> -> memref<128x128xf32, #tpu.memory_space<hbm>>
    %dma_wait3A_47 = arith.constant 0 : i32
    %dma_wait3A_48 = arith.constant 0 : i32
    %dma_wait3A_49 = tpu.memref_slice %arg4[%dma_wait3A_47, %dma_wait3A_48] : memref<204800x128xf32, #tpu.memory_space<hbm>> -> memref<128x128xf32, #tpu.memory_space<hbm>>
    tpu.wait_dma2 semaphore(%arg19 : memref<!tpu.dma_semaphore, #tpu.memory_space<semaphore_mem>>) src(%arg9 : memref<128x128xf32, #tpu.memory_space<vmem>>) dst(%dma_wait3A_49 : memref<128x128xf32, #tpu.memory_space<hbm>>)
    %dma_wait3A_50 = arith.constant 0 : i32
    %dma_wait3A_51 = arith.constant 0 : i32
    %dma_wait3A_52 = tpu.memref_slice %arg4[%dma_wait3A_50, %dma_wait3A_51] : memref<204800x128xf32, #tpu.memory_space<hbm>> -> memref<128x128xf32, #tpu.memory_space<hbm>>
    %dma_wait3A_53 = arith.constant 0 : i32
    %dma_wait3A_54 = arith.constant 0 : i32
    %dma_wait3A_55 = tpu.memref_slice %arg4[%dma_wait3A_53, %dma_wait3A_54] : memref<204800x128xf32, #tpu.memory_space<hbm>> -> memref<128x128xf32, #tpu.memory_space<hbm>>
    tpu.wait_dma2 semaphore(%arg20 : memref<!tpu.dma_semaphore, #tpu.memory_space<semaphore_mem>>) src(%arg10 : memref<128x128xf32, #tpu.memory_space<vmem>>) dst(%dma_wait3A_55 : memref<128x128xf32, #tpu.memory_space<hbm>>)
    return
  }
}

</mosaic_0001>

<sc_bundles>
// kernel: kernel.3.cloned.1.call-start
scs
__scs_entry_jumppad:
0x0: {  	(pc) =	sbr.rel $0x88, $3  }
0x1: {  	(tag) =	ssettag $0x0;
	lr =	simm.s32 $0x1  }
0x2: {  	[smem:$0x3F9F] =	sst lr;
	_ =	strace $0xD0000000  }
0x3: {  	_ = 	snop  }
0x4: {  	_ = 	snop  }
0x5: {  	_ = 	snop  }
0x6: {  	_ = 	snop  }
0x7: {  	_ = 	snop  }
__scs_overlays_trampoline_lowered:
0x8: {  	[smem:$0x3FAE] =	sst s0  }
0x9: {  	[smem:$0x3FAF] =	sst s1  }
0xa: {  	[smem:$0x3FB0] =	sst s2  }
0xb: {  	[smem:$0x3FB1] =	sst s3  }
0xc: {  	[smem:$0x3FB2] =	sst s4  }
0xd: {  	[smem:$0x3FB3] =	sst s5  }
0xe: {  	[smem:$0x3FB4] =	sst s6  }
0xf: {  	[smem:$0x3FB5] =	sst s7  }
0x10: {  	[smem:$0x3FB6] =	sst s8  }
0x11: {  	[smem:$0x3FB7] =	sst s9;
	s0 =	simm.s32 @!p0 $0x0  }
0x12: {  	s1 =	sld [smem:$0x3F9D];
	s0 =	simm.s32 @p0 $0x1  }
0x13: {  	[smem:$0x3FB8] =	sst s0;
	s0 =	simm.s32 @!p1 $0x0  }
0x14: {  	s2 =	sld [smem:$0x3F9C];
	s0 =	simm.s32 @p1 $0x1  }
0x15: {  	[smem:$0x3FB9] =	sst s0;
	s0 =	simm.s32 @!p2 $0x0  }
0x16: {  	s3 =	sld [smem:$0x3FDB];
	s0 =	simm.s32 @p2 $0x1  }
0x17: {  	s4 =	simm.s32 $0x1BF5;
	[smem:$0x3FBB] =	sst s0  }
0x18: {  	s0 =	sld [smem:$0x3F9E];
	_ =	swait.ge [sflag:s4], $0x0  }
0x19: {  	s7 =	sld [smem:$0x3F9F]  }
0x1a: {  	s8 =	sadd.s32 $0xFFFFE003, lr  }
0x1b: {  	s9 =	sadd.s32 $0xFFFFFEF7, lr;
	s5 =	simm.s32 $0xFFFFFFFF;
	p2 =	slt.u32 s8, $0xFFFFF086  }
0x1c: {  	p1 =	slt.u32 s9, $0xF7A;
	s5 =	simm.s32 @!p2 $0x0  }
0x1d: {  	s5 =	simm.s32 @p1 $0x1;
	p0 =	seq.s32 s7, s2  }
0x1e: {  	s7 =	smul.u32 @!p0 $0xF7A, s2;
	p2 =	seq.s32 @!p0 s5, $0x0  }
0x1f: {  	s9 =	smul.u32 $0xF7A, s1;
	s8 =	simm.s32 @!p0 $0x1BF5;
	p2 =	por !p2, p0  }
0x20: {  	[sflag:s8] =	ssyncset.s32 @!p0 $0xFFFFF086;
	s6 =	sadd.s32 @!p0 s3, s7;
	s7 =	simm.s32 @!p0 $0x108  }
0x21: {  	s3 =	sadd.s32 s3, s9;
	s6 =	sadd.s32 @!p0 $0x88, s6;
	s7 =	simm.s32 @p2 $0x1082  }
0x22: {  	[simem:s7], [sflag:s8] =	dma.local @!p0 [hbm:s6], $0xF7A  }
0x23: {  	s9 =	sor.u32 $0xD0000000, s2;
	s6 =	simm.s32 $0x108;
	_ =	swait.ge @!p0 [sflag:s8], $0x0  }
0x24: {  	s3 =	sadd.s32 $0x88, s3;
	s6 =	simm.s32 @!p1 $0x1082;
	[sflag:s4] =	ssyncset.s32 $0xFFFFF086  }
0x25: {  	[simem:s6], [sflag:s4] =	dma.local [hbm:s3], $0xF7A  }
0x26: {  	[smem:$0x3F9F] =	sst s1;
	(tag) =	ssettag s2;
	_ =	strace s9  }
0x27: {  	s1 =	sld [smem:$0x3FAF]  }
0x28: {  	s2 =	sld [smem:$0x3FB0]  }
0x29: {  	s4 =	sld [smem:$0x3FB2]  }
0x2a: {  	p0 =	seq.s32 s5, $0x0;
	s5 =	sld [smem:$0x3FB3]  }
0x2b: {  	s6 =	sld [smem:$0x3FB4]  }
0x2c: {  	s7 =	sld [smem:$0x3FB5]  }
0x2d: {  	s3 =	simm.s32 $0x108;
	s8 =	sld [smem:$0x3FB6]  }
0x2e: {  	s3 =	simm.s32 @!p0 $0x1082;
	s9 =	sld [smem:$0x3FB7]  }
0x2f: {  	lr =	sadd.s32 s0, s3;
	s0 =	sld [smem:$0x3FAE]  }
0x30: {  	s3 =	sld [smem:$0x3FB1]  }
0x31: {  	[smem:$0x3FBA] =	sst s10  }
0x32: {  	s10 =	sld [smem:$0x3FB8];
	_ =	sdelay $0x3  }
0x33: {  	p0 =	seq.s32 s10, $0x1;
	s10 =	sld [smem:$0x3FBA];
	_ =	sdelay $0x3  }
0x34: {  	[smem:$0x3FBA] =	sst s10  }
0x35: {  	s10 =	sld [smem:$0x3FB9];
	_ =	sdelay $0x3  }
0x36: {  	p1 =	seq.s32 s10, $0x1;
	s10 =	sld [smem:$0x3FBA];
	_ =	sdelay $0x3  }
0x37: {  	[smem:$0x3FBA] =	sst s10  }
0x38: {  	s10 =	sld [smem:$0x3FBB]  }
0x39: {  	_ = 	snop;
	(pc) =	sbr.ind lr, $3  }
0x3a: {  	_ = 	snop  }
0x3b: {  	_ = 	snop  }
0x3c: {  	p2 =	seq.s32 s10, $0x1;
	s10 =	sld [smem:$0x3FBA]  }
0x3d: {  	_ =	shalt  }
0x3e: {  	_ =	shalt  }
0x3f: {  	_ =	shalt  }
0x40: {  	_ =	shalt  }
0x41: {  	_ =	shalt  }
0x42: {  	_ =	shalt  }
0x43: {  	_ =	shalt  }
0x44: {  	_ =	shalt  }
0x45: {  	_ =	shalt  }
0x46: {  	_ =	shalt  }
0x47: {  	_ =	shalt  }
0x48: {  	_ =	shalt  }
0x49: {  	_ =	shalt  }
0x4a: {  	_ =	shalt  }
0x4b: {  	_ =	shalt  }
0x4c: {  	_ =	shalt  }
0x4d: {  	_ =	shalt  }
0x4e: {  	_ =	shalt  }
0x4f: {  	_ =	shalt  }
0x50: {  	_ =	shalt  }
0x51: {  	_ =	shalt  }
0x52: {  	_ =	shalt  }
0x53: {  	_ =	shalt  }
0x54: {  	_ =	shalt  }
0x55: {  	_ =	shalt  }
0x56: {  	_ =	shalt  }
0x57: {  	_ =	shalt  }
0x58: {  	_ =	shalt  }
0x59: {  	_ =	shalt  }
0x5a: {  	_ =	shalt  }
0x5b: {  	_ =	shalt  }
0x5c: {  	_ =	shalt  }
0x5d: {  	_ =	shalt  }
0x5e: {  	_ =	shalt  }
0x5f: {  	_ =	shalt  }
0x60: {  	_ =	shalt  }
0x61: {  	_ =	shalt  }
0x62: {  	_ =	shalt  }
0x63: {  	_ =	shalt  }
0x64: {  	_ =	shalt  }
0x65: {  	_ =	shalt  }
0x66: {  	_ =	shalt  }
0x67: {  	_ =	shalt  }
0x68: {  	_ =	shalt  }
0x69: {  	_ =	shalt  }
0x6a: {  	_ =	shalt  }
0x6b: {  	_ =	shalt  }
0x6c: {  	_ =	shalt  }
0x6d: {  	_ =	shalt  }
0x6e: {  	_ =	shalt  }
0x6f: {  	_ =	shalt  }
0x70: {  	_ =	shalt  }
0x71: {  	_ =	shalt  }
0x72: {  	_ =	shalt  }
0x73: {  	_ =	shalt  }
0x74: {  	_ =	shalt  }
0x75: {  	_ =	shalt  }
0x76: {  	_ =	shalt  }
0x77: {  	_ =	shalt  }
0x78: {  	_ =	shalt  }
0x79: {  	_ =	shalt  }
0x7a: {  	_ =	shalt  }
0x7b: {  	_ =	shalt  }
0x7c: {  	_ =	shalt  }
0x7d: {  	_ =	shalt  }
0x7e: {  	_ =	shalt  }
0x7f: {  	_ =	shalt  }
0x80: {  	_ =	shalt  }
0x81: {  	_ =	shalt  }
0x82: {  	_ =	shalt  }
0x83: {  	_ =	shalt  }
0x84: {  	_ =	shalt  }
0x85: {  	_ =	shalt  }
0x86: {  	_ =	shalt  }
0x87: {  	_ =	shalt  }
.Lfunc_end0:
.L_simem_size_0:
called_computation_lowered:
.L_overlay_start_0:
0x88: {  	s2 =	sld [smem:$0x3FD9]  }
0x89: {  	s3 =	sld [smem:$0x3FFE];
	_ =	sdelay $0x1  }
0x8a: {  	s1 =	srdreg.scid  }
0x8b: {  	s0 =	sand.u32 $0x1, s1  }
0x8c: {  	s18 =	sshll.u32 s0, $0xA;
	s2 =	sadd.s32 s3, s2  }
0x8d: {  	s2 =	sadd.s32 s2, s18  }
0x8e: {  	[smem:$0x3FC6] =	sst s2  }
0x8f: {  	_ = 	snop  }
0x90: {  	s2 =	sld [smem:$0x3FC9]  }
0x91: {  	s19 =	sld [smem:$0x3FC8]  }
0x92: {  	s4 =	sld [smem:$0x3FD0];
	(tm) =	ssettm $0x1  }
0x93: {  	s5 =	sld [smem:$0x3FFB];
	_ =	sdelay $0x3  }
0x94: {  	_ =	strace s5  }
0x95: {  	s5 =	sld [smem:$0x3FFC];
	_ =	sdelay $0x3  }
0x96: {  	_ =	strace s5  }
0x97: {  	s5 =	sld [smem:$0x3FFD];
	_ =	sdelay $0x3  }
0x98: {  	_ =	strace s5  }
0x99: {  	_ =	strace $0x8FFFFFFF  }
0x9a: {  	s20 =	sld [smem:$0x3FDB];
	_ =	sdelay $0x1  }
0x9b: {  	s6 =	simm.s32 $_scs_section_size  }
0x9c: {  	s7 =	simm.s32 $_size__tile_overlayer_lowered;
	s8 =	simm.s32 $_tile_overlayer_lowered  }
0x9d: {  	s23 =	simm.s32 $0x1BFF;
	s22 =	sshll.u32 s8, $0x1;
	s5 =	sadd.s32 s6, s20  }
0x9e: {  	s9 =	simm.s32 $0x0;
	s21 =	sshll.u32 s7, $0x1;
	s7 =	sadd.s32 s22, s5  }
0x9f: {  	[timem:s9], [sflag:s23] =	dma.local [hbm:s7], s21  }
0xa0: {  	_ =	swait.ge [sflag:s23], s21  }
0xa1: {  	s6 =	ssub.s32 $0x0, s21;
	[sflag:s23] =	ssyncset.done $0x0  }
0xa2: {  	[sflag:s23] =	ssyncadd.s32 s6;
	_ =	sdelay $0x1  }
0xa3: {  	s24 =	simm.s32 $0x1B8B  }
0xa4: {  	_ =	swait.ge [sflag:s24], $0x1  }
0xa5: {  	[sflag:s24] =	ssyncset.done $0x0  }
0xa6: {  	s25 =	simm.s32 $0x1B8E;
	[sflag:s24] =	ssyncadd.s32 $0xFFFFFFFF  }
0xa7: {  	s26 =	simm.s32 $execute0_lowered;
	[smem:$0x3FD2] =	sst s25  }
0xa8: {  	s6 =	sshll.u32 s26, $0x1;
	_ =	strace $0x80000046;
	[dreg:$0x1] =	wrdreg $0xFFFFFFFF  }
0xa9: {  	s28 =	simm.s32 $_size_execute0_lowered;
	s5 =	sadd.s32 s5, s6;
	[dreg:$0x0] =	wrdreg $0x0  }
0xaa: {  	s6 =	sshll.u32 s28, $0x1;
	[dreg:$0x2] =	wrdreg s5  }
0xab: {  	[dreg:$0x3] =	wrdreg s6  }
0xac: {  	[dreg:$0x4] =	wrdreg $0xC0  }
0xad: {  	_ =	task [dreg:s9], $0x5FFFF  }
0xae: {  	[dreg:$0x1] =	wrdreg $0xFFFFFFFF  }
0xaf: {  	[dreg:$0x0] =	wrdreg $0x60  }
0xb0: {  	[dreg:$0x2] =	wrdreg s2  }
0xb1: {  	[dreg:$0x3] =	wrdreg s19  }
0xb2: {  	[dreg:$0x4] =	wrdreg s4  }
0xb3: {  	[dreg:$0x5] =	wrdreg $0x9  }
0xb4: {  	_ =	task.clear_ibuf [dreg:s9], $0x6FFFF;
	_ =	strace $0x90000046  }
0xb5: {  	s29 =	simm.s32 $0x9;
	_ =	strace $0x80000048  }
0xb6: {  	_ =	swait.ge [sflag:s29], $0x1  }
0xb7: {  	[sflag:s29] =	ssyncadd.s32 $0xFFFFFFFF  }
0xb8: {  	_ =	strace $0x90000048  }
0xb9: {  	_ =	sfence  }
0xba: {  	s30 =	sld [smem:$0x0];
	_ =	sdelay $0x2  }
0xbb: {  	s31 =	sshll.u32 s1, $0xD;
	s1 =	sshrl.u32 s1, $0x2  }
0xbc: {  	s3 =	sand.u32 $0x4000, s31;
	s1 =	sadd.s32 s1, s30  }
0xbd: {  	s0 =	sor.u32 s3, s0;
	s1 =	sshll.u32 s1, $0x11  }
0xbe: {  	s0 =	sor.u32 s1, s0  }
0xbf: {  	s0 =	sadd.s32 $0x8F2B, s0  }
0xc0: {  	[sflag:s0] =	ssyncadd.remote.s32 $0x1  }
0xc1: {  	_ =	sfence.sel $0xFFFF  }
0xc2: {  	[dreg:$0x0] =	wrdreg $0xFFFFFFFF;
	(pc) =	sbr.abs _section_cstart, $3  }
0xc3: {  	[dreg:$0x1] =	wrdreg $0xFFFFFFFF  }
0xc4: {  	_ =	task.clear_ibuf [dreg:s9], $0x2FFFF;
	_ =	strace $0x9FFFFFFF  }
0xc5: {  	(tm) =	ssettm $0x7FFFFFFF  }
tec
execute0_lowered:
.L_overlay_start_1:
0x0: {  	(tag) =	ssettag $0x1  }
0x1: {  	s0 =	rddreg [dreg:$0x0]  }
0x2: {  	s1 =	rddreg [dreg:$0x1]  }
0x3: {  	s2 =	rddreg [dreg:$0x2];
	s4 =	simm.s32 $0x0  }
0x4: {  	s3 =	srdreg.scid;
	s10 =	stileid.u32;
	s11 =	simm.s32 $0x1C00  }
0x5: {  	s12 =	simm.s32 $0x5C00;
	s19 =	simm.s32 $0xDC00;
	s29 =	simm.s32 $0x9  }
0x6: {  	s30 =	simm.s32 $0xA;
	s31 =	simm.s32 $0x0;
	[smem:$0x7FF] =	sst s4  }
0x7: {  	s3 =	sand.u32 $0x1, s3;
	s6 =	sshll.u32 s10, $0x8;
	s23 =	sshll.u32 s10, $0xF  }
0x8: {  	s26 =	sshll.u32 s10, $0xC;
	s10 =	simm.s32 $0x80;
	s5 =	ssub.s32 $0x2, s3  }
0x9: {  	s7 =	sshll.u32 s3, $0x7;
	_ =	strace $0x80000047;
	s9 =	sshll.u32 s3, $0xE  }
0xa: {  	s3 =	sshll.u32 s3, $0xB;
	s8 =	sshrl.u32 s5, $0x1;
	s6 =	sor.u32 s7, s6  }
0xb: {  	s20 =	ssub.s32 s5, s8;
	s21 =	sadd.s32 s0, s6;
	s22 =	sshll.u32 s6, $0x4  }
0xc: {  	s8 =	sor.u32 s9, s23;
	s9 =	simm.s32 $0xB;
	s23 =	simm.s32 $0x4  }
0xd: {  	s0 =	sadd.s32 s22, s2;
	[dreg:$0x6] =	wrdreg s21;
	s24 =	smax.u32 s20, $0x1  }
0xe: {  	s5 =	sadd.s32 $0x1000, s21;
	s25 =	sor.u32 $0x80000, s8;
	[dreg:$0x8] =	wrdreg s24  }
0xf: {  	s8 =	sor.u32 s3, s26;
	s0 =	sadd.s32 $0x2F0000, s0;
	[dreg:$0x7] =	wrdreg s5  }
0x10: {  	s20 =	simm.s32 $0x1;
	s28 =	sadd.s32 $0x5000, s5;
	[dreg:$0x5] =	wrdreg s0  }
0x11: {  	s21 =	simm.s32 $0x11C00;
	s0 =	sshrl.u32 s25, $0x3;
	[dreg:$0x9] =	wrdreg s28  }
0x12: {  	s22 =	simm.s32 $0x2;
	s24 =	simm.s32 $0x5;
	[dreg:$0x4] =	wrdreg s0  }
.LBB2_1:
0x13: {  	s0 =	rddreg [dreg:$0x6]  }
0x14: {  	[tilespmem:s4], [sflag:$0xB] =	stream.linear.gather [hbm4b:s0+s4], $0x400, $0x38;
	[tilespmem:$0x15C00] =	vst v63  }
0x15: {  	_ =	swait.ge [sflag:s9], $0x400  }
0x16: {  	[sflag:s9] =	ssyncset.done $0x0  }
0x17: {  	[sflag:s9] =	ssyncadd.s32 $0xFFFFFC00  }
0x18: {  	[tilespmem:s11], [sflag:$0x1] =	stream.indirect.gather [hbm4b:s1+s10], $0x80, s4, s10, $0xb8;
	[tilespmem:$0x15C00] =	vst v63  }
0x19: {  	_ = 	snop  }
0x1a: {  	[tilespmem:s12], [sflag:$0x2] =	stream.indirect.gather [hbm4b:s1+s10], $0x80, s10, s10, $0xb8;
	[tilespmem:$0x15C00] =	vst v63  }
0x1b: {  	s13 =	simm.s32 $0x100;
	s3 =	simm.s32 $0x9C00  }
0x1c: {  	[tilespmem:s3], [sflag:$0x3] =	stream.indirect.gather [hbm4b:s1+s10], $0x80, s13, s10, $0xb8;
	[tilespmem:$0x15C00] =	vst v63  }
0x1d: {  	s15 =	simm.s32 $0x8000;
	s5 =	simm.s32 $0x400;
	s14 =	rddreg [dreg:$0x7]  }
0x1e: {  	[tilespmem:s5], [sflag:$0xB] =	stream.strided.gather [hbm4b:s14+s5], $0x1400, s15, s5, $0x38;
	[tilespmem:$0x15C00] =	vst v63  }
0x1f: {  	s17 =	simm.s32 $0x1800;
	s16 =	rddreg [dreg:$0x9]  }
0x20: {  	[tilespmem:s17], [sflag:$0xB] =	stream.linear.gather [hbm4b:s16+s4], $0x100, $0x38;
	[tilespmem:$0x15C00] =	vst v63  }
0x21: {  	_ =	swait.ge [sflag:s9], $0x1500  }
0x22: {  	p0 =	por $0x1, $0x1;
	[sflag:s9] =	ssyncset.done $0x0  }
0x23: {  	s0 =	simm.s32 @!p0 $0x9;
	[sflag:s9] =	ssyncadd.s32 $0xFFFFEB00  }
0x24: {  	_ =	swait.ge @!p0 [sflag:s0], $0x4000  }
0x25: {  	[sflag:s0] =	ssyncset.done @!p0 $0x0  }
0x26: {  	s18 =	simm.s32 $0x180;
	[sflag:s0] =	ssyncadd.s32 @!p0 $0xFFFFC000  }
0x27: {  	[tilespmem:s19], [sflag:$0x4] =	stream.indirect.gather [hbm4b:s1+s10], $0x80, s18, s10, $0xb8;
	[tilespmem:$0x15C00] =	vst v63  }
0x28: {  	_ =	swait.ge [sflag:s20], $0x4000  }
0x29: {  	[sflag:s20] =	ssyncset.done $0x0  }
0x2a: {  	s25 =	sadd.s32 s2, s8;
	s3 =	simm.s32 @!p0 $0xA;
	[sflag:s20] =	ssyncadd.s32 $0xFFFFC000  }
0x2b: {  	[hbm4b:s25+s4] =	stream.linear.scatter [tilespmem:s11], [sflag:$0x6], $0x4000, $0x38;
	[tilespmem:$0x15C00] =	vst v63  }
0x2c: {  	_ =	swait.ge @!p0 [sflag:s3], $0x4000  }
0x2d: {  	[sflag:s3] =	ssyncset.done @!p0 $0x0  }
0x2e: {  	s13 =	simm.s32 $0x200;
	[sflag:s3] =	ssyncadd.s32 @!p0 $0xFFFFC000  }
0x2f: {  	[tilespmem:s21], [sflag:$0x5] =	stream.indirect.gather [hbm4b:s1+s10], $0x80, s13, s10, $0xb8;
	[tilespmem:$0x15C00] =	vst v63  }
0x30: {  	_ =	swait.ge [sflag:s22], $0x4000  }
0x31: {  	p0 =	por $0x0, $0x0;
	s26 =	rddreg [dreg:$0x4];
	[sflag:s22] =	ssyncset.done $0x0  }
0x32: {  	s13 =	simm.s32 @p0 $0x3;
	[sflag:s22] =	ssyncadd.s32 $0xFFFFC000;
	s3 =	sadd.s32 s2, s26  }
0x33: {  	[hbm4b:s3+s4] =	stream.linear.scatter [tilespmem:s12], [sflag:$0x7], $0x4000, $0x38;
	[tilespmem:$0x15C00] =	vst v63  }
0x34: {  	_ =	swait.ge @p0 [sflag:s13], $0x4000  }
0x35: {  	s14 =	simm.s32 @p0 $0x9C00;
	s15 =	simm.s32 @!p0 $0x6;
	[sflag:s13] =	ssyncset.done @p0 $0x0  }
0x36: {  	s3 =	rddreg [dreg:$0x5];
	[sflag:s13] =	ssyncadd.s32 @p0 $0xFFFFC000;
	s13 =	simm.s32 @p0 $0x0  }
0x37: {  	[hbm4b:s3+s13] =	stream.linear.scatter @p0 [tilespmem:s14], [sflag:$0x8], $0x4000, $0x38;
	[tilespmem:$0x15C00] =	vst v63  }
0x38: {  	_ =	swait.ge @!p0 [sflag:s15], $0x4000  }
0x39: {  	s3 =	simm.s32 @!p0 $0x280;
	s13 =	simm.s32 @!p0 $0x80;
	[sflag:s15] =	ssyncset.done @!p0 $0x0  }
0x3a: {  	s14 =	simm.s32 @!p0 $0x1C00;
	[sflag:s15] =	ssyncadd.s32 @!p0 $0xFFFFC000;
	s15 =	simm.s32 @!p0 $0x3  }
0x3b: {  	[tilespmem:s14], [sflag:$0x1] =	stream.indirect.gather @!p0 [hbm4b:s1+s13], $0x80, s3, s13, $0xb8;
	[tilespmem:$0x15C00] =	vst v63  }
0x3c: {  	_ =	swait.ge @!p0 [sflag:s15], $0x4000  }
0x3d: {  	s3 =	sadd.s32 @!p0 s2, s8;
	s14 =	simm.s32 @!p0 $0x0;
	[sflag:s15] =	ssyncset.done @!p0 $0x0  }
0x3e: {  	s3 =	sadd.s32 @!p0 $0x20000, s3;
	[sflag:s15] =	ssyncadd.s32 @!p0 $0xFFFFC000;
	s15 =	simm.s32 @!p0 $0x9C00  }
0x3f: {  	[hbm4b:s3+s14] =	stream.linear.scatter @!p0 [tilespmem:s15], [sflag:$0x8], $0x4000, $0x38;
	[tilespmem:$0x15C00] =	vst v63  }
0x40: {  	s3 =	simm.s32 @!p0 $0x7  }
0x41: {  	_ =	swait.ge @!p0 [sflag:s3], $0x4000  }
0x42: {  	[sflag:s3] =	ssyncset.done @!p0 $0x0  }
0x43: {  	s14 =	simm.s32 @!p0 $0x300;
	[sflag:s3] =	ssyncadd.s32 @!p0 $0xFFFFC000;
	s3 =	simm.s32 @!p0 $0x5C00  }
0x44: {  	[tilespmem:s3], [sflag:$0x2] =	stream.indirect.gather @!p0 [hbm4b:s1+s13], $0x80, s14, s13, $0xb8;
	[tilespmem:$0x15C00] =	vst v63  }
0x45: {  	_ =	swait.ge [sflag:s23], $0x4000  }
0x46: {  	[sflag:s23] =	ssyncset.done $0x0  }
0x47: {  	s28 =	sadd.s32 $0x30000, s25;
	s3 =	simm.s32 @!p0 $0x8;
	[sflag:s23] =	ssyncadd.s32 $0xFFFFC000  }
0x48: {  	[hbm4b:s28+s4] =	stream.linear.scatter [tilespmem:s19], [sflag:$0x9], $0x4000, $0x38;
	[tilespmem:$0x15C00] =	vst v63  }
0x49: {  	_ =	swait.ge @!p0 [sflag:s3], $0x4000  }
0x4a: {  	p1 =	por $0x0, $0x0;
	s0 =	sadd.s32 $0x50000, s2;
	[sflag:s3] =	ssyncset.done @!p0 $0x0  }
0x4b: {  	s14 =	sadd.s32 $0x40000, s25;
	[sflag:s3] =	ssyncadd.s32 @!p0 $0xFFFFC000;
	s3 =	simm.s32 @!p0 $0x380  }
0x4c: {  	[tilespmem:s15], [sflag:$0x3] =	stream.indirect.gather @!p0 [hbm4b:s1+s13], $0x80, s3, s13, $0xb8;
	[tilespmem:$0x15C00] =	vst v63  }
0x4d: {  	s3 =	simm.s32 $0xA00;
	s13 =	simm.s32 $0x1400;
	_ =	swait.ge [sflag:s24], $0x4000  }
.LBB2_2:
0x4e: {  	[sflag:s24] =	ssyncset.done $0x0  }
0x4f: {  	s15 =	simm.s32 @!p1 $0x9;
	[sflag:s24] =	ssyncadd.s32 $0xFFFFC000  }
0x50: {  	[hbm4b:s14+s4] =	stream.linear.scatter [tilespmem:s21], [sflag:$0xA], $0x4000, $0x38;
	[tilespmem:$0x15C00] =	vst v63  }
0x51: {  	_ =	swait.ge @!p1 [sflag:s15], $0x4000  }
0x52: {  	s18 =	sshra.s32 s3, $0x2;
	[sflag:s15] =	ssyncset.done @!p1 $0x0  }
0x53: {  	s17 =	sadd.s32 $0x180, s18;
	[sflag:s15] =	ssyncadd.s32 @!p1 $0xFFFFC000  }
0x54: {  	[tilespmem:s19], [sflag:$0x4] =	stream.indirect.gather [hbm4b:s1+s10], $0x80, s17, s10, $0xb8;
	[tilespmem:$0x15C00] =	vst v63  }
0x55: {  	_ =	swait.ge [sflag:s20], $0x4000  }
0x56: {  	[sflag:s20] =	ssyncset.done $0x0  }
0x57: {  	s7 =	simm.s32 @!p1 $0xA;
	s15 =	sadd.s32 s0, s8;
	[sflag:s20] =	ssyncadd.s32 $0xFFFFC000  }
0x58: {  	[hbm4b:s15+s4] =	stream.linear.scatter [tilespmem:s11], [sflag:$0x6], $0x4000, $0x38;
	[tilespmem:$0x15C00] =	vst v63  }
0x59: {  	_ =	swait.ge @!p1 [sflag:s7], $0x4000  }
0x5a: {  	[sflag:s7] =	ssyncset.done @!p1 $0x0  }
0x5b: {  	s18 =	sadd.s32 $0x200, s18;
	[sflag:s7] =	ssyncadd.s32 @!p1 $0xFFFFC000  }
0x5c: {  	[tilespmem:s21], [sflag:$0x5] =	stream.indirect.gather [hbm4b:s1+s10], $0x80, s18, s10, $0xb8;
	[tilespmem:$0x15C00] =	vst v63  }
0x5d: {  	s16 =	smov.u32 s13;
	_ =	swait.ge [sflag:s22], $0x4000  }
0x5e: {  	p1 =	seq.s32 s3, $0x5A00;
	s25 =	rddreg [dreg:$0x4];
	[sflag:s22] =	ssyncset.done $0x0  }
0x5f: {  	s18 =	simm.s32 @p1 $0x3;
	[sflag:s22] =	ssyncadd.s32 $0xFFFFC000;
	s7 =	sadd.s32 s0, s25  }
0x60: {  	[hbm4b:s7+s4] =	stream.linear.scatter [tilespmem:s12], [sflag:$0x7], $0x4000, $0x38;
	[tilespmem:$0x15C00] =	vst v63  }
0x61: {  	s3 =	sshra.s32 @!p1 s3, $0x2;
	s17 =	simm.s32 @p1 $0x9C00;
	_ =	swait.ge @p1 [sflag:s18], $0x4000  }
0x62: {  	s26 =	sadd.s32 @!p1 $0x300, s3;
	s25 =	simm.s32 @!p1 $0x6;
	[sflag:s18] =	ssyncset.done @p1 $0x0  }
0x63: {  	s6 =	rddreg [dreg:$0x5];
	[sflag:s18] =	ssyncadd.s32 @p1 $0xFFFFC000;
	s18 =	simm.s32 @p1 $0x0  }
0x64: {  	[hbm4b:s6+s18] =	stream.linear.scatter @p1 [tilespmem:s17], [sflag:$0x8], $0x4000, $0x38;
	[tilespmem:$0x15C00] =	vst v63  }
0x65: {  	s28 =	sadd.s32 @!p1 $0x380, s3;
	s7 =	sadd.s32 @!p1 $0x280, s3;
	_ =	swait.ge @!p1 [sflag:s25], $0x4000  }
0x66: {  	s3 =	smov.u32 s16;
	s16 =	simm.s32 @!p1 $0x1C00;
	[sflag:s25] =	ssyncset.done @!p1 $0x0  }
0x67: {  	s6 =	simm.s32 @!p1 $0x80;
	s17 =	simm.s32 @!p1 $0x3;
	[sflag:s25] =	ssyncadd.s32 @!p1 $0xFFFFC000  }
0x68: {  	[tilespmem:s16], [sflag:$0x1] =	stream.indirect.gather @!p1 [hbm4b:s1+s6], $0x80, s7, s6, $0xb8;
	[tilespmem:$0x15C00] =	vst v63  }
0x69: {  	s5 =	sadd.s32 @!p1 s0, s8;
	_ =	swait.ge @!p1 [sflag:s17], $0x4000  }
0x6a: {  	s5 =	sadd.s32 @!p1 $0x20000, s5;
	s7 =	simm.s32 @!p1 $0x0;
	[sflag:s17] =	ssyncset.done @!p1 $0x0  }
0x6b: {  	s16 =	simm.s32 @!p1 $0x9C00;
	[sflag:s17] =	ssyncadd.s32 @!p1 $0xFFFFC000;
	s17 =	simm.s32 @!p1 $0x7  }
0x6c: {  	[hbm4b:s5+s7] =	stream.linear.scatter @!p1 [tilespmem:s16], [sflag:$0x8], $0x4000, $0x38;
	[tilespmem:$0x15C00] =	vst v63  }
0x6d: {  	_ =	swait.ge @!p1 [sflag:s17], $0x4000  }
0x6e: {  	[sflag:s17] =	ssyncset.done @!p1 $0x0  }
0x6f: {  	s5 =	simm.s32 @!p1 $0x5C00;
	[sflag:s17] =	ssyncadd.s32 @!p1 $0xFFFFC000  }
0x70: {  	[tilespmem:s5], [sflag:$0x2] =	stream.indirect.gather @!p1 [hbm4b:s1+s6], $0x80, s26, s6, $0xb8;
	[tilespmem:$0x15C00] =	vst v63  }
0x71: {  	s13 =	sadd.s32 $0xA00, s13;
	_ =	swait.ge [sflag:s23], $0x4000  }
0x72: {  	p0 =	sne.s32 s13, $0x6400;
	[sflag:s23] =	ssyncset.done $0x0  }
0x73: {  	s7 =	simm.s32 @!p1 $0x8;
	s26 =	sadd.s32 $0x30000, s15;
	[sflag:s23] =	ssyncadd.s32 $0xFFFFC000  }
0x74: {  	[hbm4b:s26+s4] =	stream.linear.scatter [tilespmem:s19], [sflag:$0x9], $0x4000, $0x38;
	[tilespmem:$0x15C00] =	vst v63  }
.Ltmp0:
0x75: {  	_ =	swait.ge @!p1 [sflag:s7], $0x4000;
	(pc) =	sbr.rel @p0 .LBB2_2-.Ltmp0, $4  }
0x76: {  	[sflag:s7] =	ssyncset.done @!p1 $0x0  }
0x77: {  	s14 =	sadd.s32 $0x40000, s15;
	[sflag:s7] =	ssyncadd.s32 @!p1 $0xFFFFC000  }
0x78: {  	[tilespmem:s16], [sflag:$0x3] =	stream.indirect.gather @!p1 [hbm4b:s1+s6], $0x80, s28, s6, $0xb8;
	[tilespmem:$0x15C00] =	vst v63  }
0x79: {  	s0 =	sadd.s32 $0x50000, s0;
	p1 =	seq.s32 s3, $0x0;
	_ =	swait.ge [sflag:s24], $0x4000  }
0x7a: {  	[sflag:s24] =	ssyncset.done $0x0  }
0x7b: {  	s5 =	simm.s32 @!p1 $0x9;
	[sflag:s24] =	ssyncadd.s32 $0xFFFFC000  }
0x7c: {  	[hbm4b:s14+s4] =	stream.linear.scatter [tilespmem:s21], [sflag:$0xA], $0x4000, $0x38;
	[tilespmem:$0x15C00] =	vst v63  }
0x7d: {  	_ =	swait.ge @!p1 [sflag:s5], $0x4000  }
0x7e: {  	s6 =	sshra.s32 s3, $0x2;
	[sflag:s5] =	ssyncset.done @!p1 $0x0  }
0x7f: {  	s7 =	sadd.s32 $0x180, s6;
	[sflag:s5] =	ssyncadd.s32 @!p1 $0xFFFFC000  }
0x80: {  	[tilespmem:s19], [sflag:$0x4] =	stream.indirect.gather [hbm4b:s1+s10], $0x80, s7, s10, $0xb8;
	[tilespmem:$0x15C00] =	vst v63  }
0x81: {  	_ =	swait.ge [sflag:s20], $0x4000  }
0x82: {  	[sflag:s20] =	ssyncset.done $0x0  }
0x83: {  	s14 =	sadd.s32 s0, s8;
	s7 =	simm.s32 @!p1 $0xA;
	[sflag:s20] =	ssyncadd.s32 $0xFFFFC000  }
0x84: {  	[hbm4b:s14+s4] =	stream.linear.scatter [tilespmem:s11], [sflag:$0x6], $0x4000, $0x38;
	[tilespmem:$0x15C00] =	vst v63  }
0x85: {  	_ =	swait.ge @!p1 [sflag:s7], $0x4000  }
0x86: {  	[sflag:s7] =	ssyncset.done @!p1 $0x0  }
0x87: {  	s6 =	sadd.s32 $0x200, s6;
	[sflag:s7] =	ssyncadd.s32 @!p1 $0xFFFFC000  }
0x88: {  	[tilespmem:s21], [sflag:$0x5] =	stream.indirect.gather [hbm4b:s1+s10], $0x80, s6, s10, $0xb8;
	[tilespmem:$0x15C00] =	vst v63  }
0x89: {  	_ =	swait.ge [sflag:s22], $0x4000  }
0x8a: {  	p0 =	seq.s32 s3, $0x5A00;
	s15 =	rddreg [dreg:$0x4];
	[sflag:s22] =	ssyncset.done $0x0  }
0x8b: {  	s7 =	simm.s32 @p0 $0x3;
	[sflag:s22] =	ssyncadd.s32 $0xFFFFC000;
	s6 =	sadd.s32 s0, s15  }
0x8c: {  	[hbm4b:s6+s4] =	stream.linear.scatter [tilespmem:s12], [sflag:$0x7], $0x4000, $0x38;
	[tilespmem:$0x15C00] =	vst v63  }
0x8d: {  	_ =	swait.ge @p0 [sflag:s7], $0x4000  }
0x8e: {  	s13 =	simm.s32 @p0 $0x9C00;
	[sflag:s7] =	ssyncset.done @p0 $0x0  }
0x8f: {  	s6 =	rddreg [dreg:$0x5];
	[sflag:s7] =	ssyncadd.s32 @p0 $0xFFFFC000;
	s7 =	simm.s32 @p0 $0x0  }
0x90: {  	[hbm4b:s6+s7] =	stream.linear.scatter @p0 [tilespmem:s13], [sflag:$0x8], $0x4000, $0x38;
	[tilespmem:$0x15C00] =	vst v63  }
0x91: {  	s6 =	simm.s32 @!p0 $0x6  }
0x92: {  	s3 =	sshra.s32 @!p0 s3, $0x2;
	_ =	swait.ge @!p0 [sflag:s6], $0x4000  }
0x93: {  	s7 =	sadd.s32 @!p0 $0x280, s3;
	[sflag:s6] =	ssyncset.done @!p0 $0x0  }
0x94: {  	s13 =	simm.s32 @!p0 $0x80;
	[sflag:s6] =	ssyncadd.s32 @!p0 $0xFFFFC000;
	s6 =	simm.s32 @!p0 $0x1C00  }
0x95: {  	[tilespmem:s6], [sflag:$0x1] =	stream.indirect.gather @!p0 [hbm4b:s1+s13], $0x80, s7, s13, $0xb8;
	[tilespmem:$0x15C00] =	vst v63  }
0x96: {  	s6 =	simm.s32 @!p0 $0x3  }
0x97: {  	s0 =	sadd.s32 @!p0 s0, s8;
	_ =	swait.ge @!p0 [sflag:s6], $0x4000  }
0x98: {  	s0 =	sadd.s32 @!p0 $0x20000, s0;
	[sflag:s6] =	ssyncset.done @!p0 $0x0  }
0x99: {  	s7 =	simm.s32 @!p0 $0x0;
	[sflag:s6] =	ssyncadd.s32 @!p0 $0xFFFFC000;
	s6 =	simm.s32 @!p0 $0x9C00  }
0x9a: {  	[hbm4b:s0+s7] =	stream.linear.scatter @!p0 [tilespmem:s6], [sflag:$0x8], $0x4000, $0x38;
	[tilespmem:$0x15C00] =	vst v63  }
0x9b: {  	s0 =	simm.s32 @!p0 $0x7  }
0x9c: {  	_ =	swait.ge @!p0 [sflag:s0], $0x4000  }
0x9d: {  	[sflag:s0] =	ssyncset.done @!p0 $0x0  }
0x9e: {  	s7 =	sadd.s32 @!p0 $0x300, s3;
	[sflag:s0] =	ssyncadd.s32 @!p0 $0xFFFFC000;
	s0 =	simm.s32 @!p0 $0x5C00  }
0x9f: {  	[tilespmem:s0], [sflag:$0x2] =	stream.indirect.gather @!p0 [hbm4b:s1+s13], $0x80, s7, s13, $0xb8;
	[tilespmem:$0x15C00] =	vst v63  }
0xa0: {  	_ =	swait.ge [sflag:s23], $0x4000  }
0xa1: {  	[sflag:s23] =	ssyncset.done $0x0  }
0xa2: {  	s16 =	sadd.s32 $0x30000, s14;
	s0 =	simm.s32 @!p0 $0x8;
	[sflag:s23] =	ssyncadd.s32 $0xFFFFC000  }
0xa3: {  	[hbm4b:s16+s4] =	stream.linear.scatter [tilespmem:s19], [sflag:$0x9], $0x4000, $0x38;
	[tilespmem:$0x15C00] =	vst v63  }
0xa4: {  	_ =	swait.ge @!p0 [sflag:s0], $0x4000  }
0xa5: {  	[sflag:s0] =	ssyncset.done @!p0 $0x0  }
0xa6: {  	[sflag:s0] =	ssyncadd.s32 @!p0 $0xFFFFC000;
	s0 =	sadd.s32 @!p0 $0x380, s3  }
0xa7: {  	[tilespmem:s6], [sflag:$0x3] =	stream.indirect.gather @!p0 [hbm4b:s1+s13], $0x80, s0, s13, $0xb8;
	[tilespmem:$0x15C00] =	vst v63  }
0xa8: {  	_ =	swait.ge [sflag:s24], $0x4000  }
0xa9: {  	[sflag:s24] =	ssyncset.done $0x0  }
0xaa: {  	s18 =	simm.s32 $0x6;
	s17 =	sadd.s32 $0x40000, s14;
	[sflag:s24] =	ssyncadd.s32 $0xFFFFC000  }
0xab: {  	[hbm4b:s17+s4] =	stream.linear.scatter [tilespmem:s21], [sflag:$0xA], $0x4000, $0x38;
	[tilespmem:$0x15C00] =	vst v63  }
0xac: {  	_ =	swait.ge [sflag:s18], $0x4000  }
0xad: {  	[sflag:s18] =	ssyncset.done $0x0  }
0xae: {  	s25 =	simm.s32 $0x7;
	[sflag:s18] =	ssyncadd.s32 $0xFFFFC000  }
0xaf: {  	_ =	swait.ge [sflag:s25], $0x4000  }
0xb0: {  	[sflag:s25] =	ssyncset.done $0x0  }
0xb1: {  	s26 =	simm.s32 $0x8;
	[sflag:s25] =	ssyncadd.s32 $0xFFFFC000  }
0xb2: {  	_ =	swait.ge [sflag:s26], $0x4000  }
0xb3: {  	[sflag:s26] =	ssyncset.done $0x0  }
0xb4: {  	[sflag:s26] =	ssyncadd.s32 $0xFFFFC000  }
0xb5: {  	_ =	swait.ge [sflag:s29], $0x4000  }
0xb6: {  	[sflag:s29] =	ssyncset.done $0x0  }
0xb7: {  	[sflag:s29] =	ssyncadd.s32 $0xFFFFC000  }
0xb8: {  	_ =	swait.ge [sflag:s30], $0x4000  }
0xb9: {  	s31 =	sadd.s32 $0x1, s31;
	s28 =	rddreg [dreg:$0x8]  }
0xba: {  	p0 =	sne.s32 s31, s28  }
.Ltmp1:
0xbb: {  	_ = 	snop;
	(pc) =	sbr.rel @p0 .LBB2_1-.Ltmp1, $3  }
0xbc: {  	_ =	sdelay $0x1  }
0xbd: {  	[sflag:s30] =	ssyncset.done $0x0  }
0xbe: {  	[sflag:s30] =	ssyncadd.s32 $0xFFFFC000  }
0xbf: {  	_ =	sfence.sel $0x180000  }
0xc0: {  	[bflag:$0x0] =	sbarrier.arrive $0xFFFF  }
0xc1: {  	_ =	strace $0x90000047  }
0xc2: {  	s0 =	stileid.u32;
	[bflag:$0x2] =	sbarrier.arrive $0xFFFF  }
0xc3: {  	p0 =	sne.s32 s0, $0x0;
	s0 =	rddreg [dreg:$0x3]  }
0xc4: {  	s0 =	sadd.s32 @!p0 $0x100000, s0  }
0xc5: {  	[sflag:s0] =	ssyncadd.tile.s32 @!p0 $0x1;
	_ =	shalt  }
.Lfunc_end2:
_tile_overlayer_lowered:
.L_overlay_start_2:
0xc6: {  	(tag) =	ssettag $0x2  }
0xc7: {  	s0 =	rddreg [dreg:$0x0];
	s2 =	stileid.u32  }
0xc8: {  	s1 =	rddreg [dreg:$0x1];
	p0 =	sne.s32 s2, $0x0  }
0xc9: {  	s3 =	rddreg [dreg:$0x2];
	[bflag:$0x3] =	sbarrier.arrive $0xFFFF;
	s2 =	simm.s32 @!p0 $0x1C0B  }
0xca: {  	[timem:s3], [sflag:s2] =	dma.local @!p0 [hbm:s0], s1  }
0xcb: {  	s0 =	simm.s32 @!p0 $0xB  }
0xcc: {  	_ =	swait.ge @!p0 [sflag:s0], s1  }
0xcd: {  	s1 =	ssub.s32 @!p0 $0x0, s1;
	[sflag:s0] =	ssyncset.done @!p0 $0x0  }
0xce: {  	[sflag:s0] =	ssyncadd.s32 @!p0 s1  }
0xcf: {  	[bflag:$0x3] =	sbarrier.arrive $0xFFFF  }
0xd0: {  	_ =	shalt  }

</sc_bundles>
